<compile_context>
chip_gen: v7x
topology: tpu7x:2x2x1
jax: 0.10.2.dev20260603
libtpu: 0.0.44.dev20260713+nightly
codegen_flags: <defaults>
</compile_context>

<pallas_src>
import jax
import jax.numpy as jnp
from jax import lax
from jax.experimental import pallas as pl
from jax.experimental.pallas import tpu as pltpu
from jax.experimental.pallas import tpu_sc as plsc

N = 100000
G = 1024
D = 64

NC = 2
NS = 16
NW = NC * NS

NPAD = 102400
HROWS = NPAD // 128
RPW = HROWS // NW
ALR = 80
GRT = G // 16 // NS

BLK = 8192
TCA_GRID = 12
NTAIL = N - TCA_GRID * BLK
TROWS = HROWS - TCA_GRID * (BLK // 128)
TFULL = NTAIL // 128
TREM = NTAIL - TFULL * 128


def _tca_body(x_ref, w_ref, out_ref):
    h = jnp.sum(x_ref[...] * w_ref[...].reshape(1, D), axis=1)
    out_ref[...] = h.reshape(BLK // 128, 128)


def _tca_tail_body(x_ref, w_ref, out_ref):
    h = jnp.sum(x_ref[...] * w_ref[...].reshape(1, D), axis=1)
    h = h.reshape(1, NTAIL)
    row = jnp.concatenate([h[:, TFULL * 128:],
                           jnp.zeros((1, 128 - TREM), jnp.float32)], axis=1)
    out_ref[...] = jnp.concatenate(
        [h[:, :TFULL * 128].reshape(TFULL, 128), row,
         jnp.zeros((TROWS - TFULL - 1, 128), jnp.float32)], axis=0)


def _sc_body(h_hbm, i_hbm, ssum, scnt, hbuf, ibuf, aloc, cloc, ebuf, irow,
             sacc, scc):
    c = lax.axis_index("c")
    s = lax.axis_index("s")
    w = s * NC + c

    pltpu.sync_copy(h_hbm.at[pl.ds(w * RPW, RPW)], hbuf)
    pltpu.sync_copy(i_hbm.at[pl.ds(w * RPW, RPW)], ibuf)

    for t in range(ALR // 16):
        irow[0, pl.ds(t * 16, 16)] = lax.iota(jnp.int32, 16) + t * 16

    def zero_body(i, _):
        aloc[i, :] = jnp.zeros((16,), jnp.float32)
        cloc[i, :] = jnp.zeros((16,), jnp.float32)
        return 0

    lax.fori_loop(0, ALR, zero_body, 0)

    @pl.when(s == 0)
    def _():
        pltpu.sync_copy(aloc, sacc)
        pltpu.sync_copy(cloc, scc)

    ones = jnp.ones((16,), jnp.float32)

    def row_body(q, _):
        for l in range(8):
            hv = hbuf[q, pl.ds(l * 16, 16)]
            iv = ibuf[q, pl.ds(l * 16, 16)]
            riv = iv >> 4
            civ = iv & 15
            plsc.addupdate_scatter(aloc, [riv, civ], hv)
            plsc.addupdate_scatter(cloc, [riv, civ], ones)
        return 0

    lax.fori_loop(0, RPW, row_body, 0)

    plsc.subcore_barrier()
    pltpu.sync_copy(aloc, sacc.at[irow.at[0]], add=True)
    pltpu.sync_copy(cloc, scc.at[irow.at[0]], add=True)
    plsc.subcore_barrier()

    pltpu.sync_copy(sacc.at[pl.ds(s * GRT, GRT)], ebuf)
    pltpu.sync_copy(ebuf, ssum.at[c, pl.ds(s * GRT, GRT)])
    pltpu.sync_copy(scc.at[pl.ds(s * GRT, GRT)], ebuf)
    pltpu.sync_copy(ebuf, scnt.at[c, pl.ds(s * GRT, GRT)])


def _make_sc_call():
    mesh = plsc.VectorSubcoreMesh(core_axis_name="c", subcore_axis_name="s",
                                  num_cores=NC, num_subcores=NS)
    return pl.kernel(
        _sc_body,
        out_type=(
            jax.ShapeDtypeStruct((NC, G // 16, 16), jnp.float32),
            jax.ShapeDtypeStruct((NC, G // 16, 16), jnp.float32),
        ),
        mesh=mesh,
        compiler_params=pltpu.CompilerParams(
            use_tc_tiling_on_sc=False, needs_layout_passes=False),
        scratch_types=[
            pltpu.VMEM((RPW, 128), jnp.float32),
            pltpu.VMEM((RPW, 128), jnp.int32),
            pltpu.VMEM((ALR, 16), jnp.float32),
            pltpu.VMEM((ALR, 16), jnp.float32),
            pltpu.VMEM((GRT, 16), jnp.float32),
            pltpu.VMEM((1, ALR), jnp.int32),
            pltpu.VMEM_SHARED((ALR, 16), jnp.float32),
            pltpu.VMEM_SHARED((ALR, 16), jnp.float32),
        ],
    )


def _tcb_body(ps_ref, pc_ref, b_ref, out_ref):
    ps = ps_ref[...]
    pc = pc_ref[...]
    su = ps[0] + ps[1]
    cn = pc[0] + pc[1]
    out_ref[...] = (su + cn * b_ref[...]) / jnp.maximum(cn, 1.0)


def kernel(x, node_graph_idx, W, b):
    h1 = pl.pallas_call(
        _tca_body,
        grid=(TCA_GRID,),
        in_specs=[
            pl.BlockSpec((BLK, D), lambda i: (i, 0)),
            pl.BlockSpec((D, 1), lambda i: (0, 0)),
        ],
        out_specs=pl.BlockSpec((BLK // 128, 128), lambda i: (i, 0)),
        out_shape=jax.ShapeDtypeStruct((TCA_GRID * BLK // 128, 128),
                                       jnp.float32),
    )(x, W)

    h2 = pl.pallas_call(
        _tca_tail_body,
        out_shape=jax.ShapeDtypeStruct((TROWS, 128), jnp.float32),
    )(x[TCA_GRID * BLK:], W)

    h = jnp.concatenate([h1, h2], axis=0)

    idxp = jnp.concatenate([
        node_graph_idx.astype(jnp.int32),
        jnp.full((NPAD - N,), G, jnp.int32),
    ]).reshape(HROWS, 128)

    ssum, scnt = _make_sc_call()(h, idxp)

    out = pl.pallas_call(
        _tcb_body,
        out_shape=jax.ShapeDtypeStruct((G // 16, 16), jnp.float32),
    )(ssum, scnt, b.reshape(1, 1))
    return out.reshape(G, 1)

# --- scband reference (transcript-rebuilt; emitter-appended) ---
"""Pipeline reference for scband-gnavg-7834020348712 (READ-ONLY COPY).

The authoritative reference and input builder live on the scoring server;
editing this copy changes nothing except your own understanding.
"""

import jax, jax.numpy as jnp
import numpy as np

N = 100000
G = 1024
D = 64


def setup_inputs(seed: int = 0) -> dict:
    key = jax.random.key(seed)
    k1, k2, k3 = jax.random.split(key, 3)
    x = jax.random.normal(k1, (N, D), dtype=jnp.float32)
    node_graph_idx = jnp.sort(jax.random.randint(k2, (N,), 0, G))
    # Parameters of the Linear(64, 1) inside IndependentNodeUpdate
    W = jax.random.normal(k3, (D, 1), dtype=jnp.float32) * (1.0 / np.sqrt(D))
    b = jnp.zeros((1,), dtype=jnp.float32)
    return {"x": x, "node_graph_idx": node_graph_idx, "W": W, "b": b}


def reference(x, node_graph_idx, W, b):
    # core GNBlock: IndependentNodeUpdate applies the dense layer to each node
    # independently (phi_v = Linear(64 -> 1)); edges/global untouched.
    h = x @ W + b  # [N, 1]
    # dec GNBlock: rho_vu = AvgAggregation averages node attrs per graph;
    # phi_u = NodeAggregationGlobalStateUpdate sets the global attr to the
    # aggregated node value. Output is the global attr val per graph.
    seg_sum = jax.ops.segment_sum(h, node_graph_idx, num_segments=G)  # [G, 1]
    counts = jax.ops.segment_sum(jnp.ones((h.shape[0], 1), dtype=h.dtype), node_graph_idx, num_segments=G)
    avg = seg_sum / jnp.maximum(counts, 1.0)  # [G, 1]
    return avg

if __name__ == "__main__":
    import jax
    _d = setup_inputs()
    print(jax.jit(kernel)(*tuple(_d.values())))

</pallas_src>

<mosaic_0001>
#map = affine_map<(d0, d1) -> (0, 0)>
#map1 = affine_map<(d0, d1) -> (0, 0, 0)>
module attributes {stable_mosaic.version = 14 : i64} {
  func.func @_sc_body(%arg0: i32, %arg1: i32, %arg2: memref<800x128xf32, #tpu.memory_space<hbm>>, %arg3: memref<800x128xi32, #tpu.memory_space<hbm>>, %arg4: memref<2x64x16xf32, #tpu.memory_space<hbm>>, %arg5: memref<2x64x16xf32, #tpu.memory_space<hbm>>, %arg6: memref<25x128xf32, #tpu.memory_space<vmem>>, %arg7: memref<25x128xi32, #tpu.memory_space<vmem>>, %arg8: memref<80x16xf32, #tpu.memory_space<vmem>>, %arg9: memref<80x16xf32, #tpu.memory_space<vmem>>, %arg10: memref<4x16xf32, #tpu.memory_space<vmem>>, %arg11: memref<1x80xi32, #tpu.memory_space<vmem>>, %arg12: memref<80x16xf32, #tpu.memory_space<vmem_shared>>, %arg13: memref<80x16xf32, #tpu.memory_space<vmem_shared>>) attributes {dimension_semantics = [#tpu.dimension_semantics<core_parallel>, #tpu.dimension_semantics<subcore_parallel>], iteration_bounds = array<i64: 2, 16>, scalar_prefetch = 0 : i64, scratch_operands = 8 : i64, tpu.core_type = #tpu.core_type<sc_vector_subcore>, window_params = [{transform_indices = #map}, {transform_indices = #map}, {transform_indices = #map1}, {transform_indices = #map1}]} {
    %mul3A = arith.constant 2 : i32
    %mul3A_0 = arith.muli %arg1, %mul3A : i32
    %add3A = arith.addi %mul3A_0, %arg0 : i32
    %mul3A_1 = arith.constant 25 : i32
    %mul3A_2 = arith.muli %add3A, %mul3A_1 : i32
    "tpu.region"() ({
      %run_scoped3A_69 = tpu.sem_alloc : memref<!tpu.dma_semaphore, #tpu.memory_space<semaphore_mem>>
      %dma_start3A = arith.constant 0 : i32
      %dma_start3A_70 = tpu.memref_slice %arg2[%mul3A_2, %dma_start3A] : memref<800x128xf32, #tpu.memory_space<hbm>> -> memref<25x128xf32, #tpu.memory_space<hbm>>
      %dma_start3A_71 = arith.constant 0 : i32
      %dma_start3A_72 = tpu.memref_slice %arg2[%mul3A_2, %dma_start3A_71] : memref<800x128xf32, #tpu.memory_space<hbm>> -> memref<25x128xf32, #tpu.memory_space<hbm>>
      tpu.enqueue_dma source(%dma_start3A_72 : memref<25x128xf32, #tpu.memory_space<hbm>>) target(%arg6 : memref<25x128xf32, #tpu.memory_space<vmem>>) target_semaphore(%run_scoped3A_69 : memref<!tpu.dma_semaphore, #tpu.memory_space<semaphore_mem>>)
      %dma_wait3A = arith.constant 0 : i32
      %dma_wait3A_73 = tpu.memref_slice %arg2[%mul3A_2, %dma_wait3A] : memref<800x128xf32, #tpu.memory_space<hbm>> -> memref<25x128xf32, #tpu.memory_space<hbm>>
      %dma_wait3A_74 = arith.constant 0 : i32
      %dma_wait3A_75 = tpu.memref_slice %arg2[%mul3A_2, %dma_wait3A_74] : memref<800x128xf32, #tpu.memory_space<hbm>> -> memref<25x128xf32, #tpu.memory_space<hbm>>
      tpu.wait_dma2 semaphore(%run_scoped3A_69 : memref<!tpu.dma_semaphore, #tpu.memory_space<semaphore_mem>>) src(%dma_wait3A_75 : memref<25x128xf32, #tpu.memory_space<hbm>>) dst(%arg6 : memref<25x128xf32, #tpu.memory_space<vmem>>)
      tpu.yield
    }) : () -> ()
    %mul3A_3 = arith.constant 25 : i32
    %mul3A_4 = arith.muli %add3A, %mul3A_3 : i32
    "tpu.region"() ({
      %run_scoped3A_69 = tpu.sem_alloc : memref<!tpu.dma_semaphore, #tpu.memory_space<semaphore_mem>>
      %dma_start3A = arith.constant 0 : i32
      %dma_start3A_70 = tpu.memref_slice %arg3[%mul3A_4, %dma_start3A] : memref<800x128xi32, #tpu.memory_space<hbm>> -> memref<25x128xi32, #tpu.memory_space<hbm>>
      %dma_start3A_71 = arith.constant 0 : i32
      %dma_start3A_72 = tpu.memref_slice %arg3[%mul3A_4, %dma_start3A_71] : memref<800x128xi32, #tpu.memory_space<hbm>> -> memref<25x128xi32, #tpu.memory_space<hbm>>
      tpu.enqueue_dma source(%dma_start3A_72 : memref<25x128xi32, #tpu.memory_space<hbm>>) target(%arg7 : memref<25x128xi32, #tpu.memory_space<vmem>>) target_semaphore(%run_scoped3A_69 : memref<!tpu.dma_semaphore, #tpu.memory_space<semaphore_mem>>)
      %dma_wait3A = arith.constant 0 : i32
      %dma_wait3A_73 = tpu.memref_slice %arg3[%mul3A_4, %dma_wait3A] : memref<800x128xi32, #tpu.memory_space<hbm>> -> memref<25x128xi32, #tpu.memory_space<hbm>>
      %dma_wait3A_74 = arith.constant 0 : i32
      %dma_wait3A_75 = tpu.memref_slice %arg3[%mul3A_4, %dma_wait3A_74] : memref<800x128xi32, #tpu.memory_space<hbm>> -> memref<25x128xi32, #tpu.memory_space<hbm>>
      tpu.wait_dma2 semaphore(%run_scoped3A_69 : memref<!tpu.dma_semaphore, #tpu.memory_space<semaphore_mem>>) src(%dma_wait3A_75 : memref<25x128xi32, #tpu.memory_space<hbm>>) dst(%arg7 : memref<25x128xi32, #tpu.memory_space<vmem>>)
      tpu.yield
    }) : () -> ()
    %iota3A = tpu.iota {dimensions = array<i32: 0>} : vector<16xi32>
    %add3A_5 = arith.constant 0 : i32
    %add3A_6 = vector.broadcast %add3A_5 : i32 to vector<16xi32>
    %add3A_7 = arith.addi %iota3A, %add3A_6 : vector<16xi32>
    %swap3A = arith.constant 0 : i32
    %swap3A_8 = arith.index_cast %swap3A : i32 to index
    %swap3A_9 = arith.constant 0 : index
    %swap3A_10 = tpu.vector_load %arg11[%swap3A_8, %swap3A_9] {strides = array<i32>} : memref<1x80xi32, #tpu.memory_space<vmem>>, vector<16xi32>,
    tpu.vector_store %arg11[%swap3A_8, %swap3A_9], %add3A_7 {strides = array<i32>} : memref<1x80xi32, #tpu.memory_space<vmem>>, vector<16xi32>,
    %iota3A_11 = tpu.iota {dimensions = array<i32: 0>} : vector<16xi32>
    %add3A_12 = arith.constant 16 : i32
    %add3A_13 = vector.broadcast %add3A_12 : i32 to vector<16xi32>
    %add3A_14 = arith.addi %iota3A_11, %add3A_13 : vector<16xi32>
    %swap3A_15 = arith.constant 0 : i32
    %swap3A_16 = arith.index_cast %swap3A_15 : i32 to index
    %swap3A_17 = arith.constant 16 : index
    %swap3A_18 = tpu.vector_load %arg11[%swap3A_16, %swap3A_17] {strides = array<i32>} : memref<1x80xi32, #tpu.memory_space<vmem>>, vector<16xi32>,
    tpu.vector_store %arg11[%swap3A_16, %swap3A_17], %add3A_14 {strides = array<i32>} : memref<1x80xi32, #tpu.memory_space<vmem>>, vector<16xi32>,
    %iota3A_19 = tpu.iota {dimensions = array<i32: 0>} : vector<16xi32>
    %add3A_20 = arith.constant 32 : i32
    %add3A_21 = vector.broadcast %add3A_20 : i32 to vector<16xi32>
    %add3A_22 = arith.addi %iota3A_19, %add3A_21 : vector<16xi32>
    %swap3A_23 = arith.constant 0 : i32
    %swap3A_24 = arith.index_cast %swap3A_23 : i32 to index
    %swap3A_25 = arith.constant 32 : index
    %swap3A_26 = tpu.vector_load %arg11[%swap3A_24, %swap3A_25] {strides = array<i32>} : memref<1x80xi32, #tpu.memory_space<vmem>>, vector<16xi32>,
    tpu.vector_store %arg11[%swap3A_24, %swap3A_25], %add3A_22 {strides = array<i32>} : memref<1x80xi32, #tpu.memory_space<vmem>>, vector<16xi32>,
    %iota3A_27 = tpu.iota {dimensions = array<i32: 0>} : vector<16xi32>
    %add3A_28 = arith.constant 48 : i32
    %add3A_29 = vector.broadcast %add3A_28 : i32 to vector<16xi32>
    %add3A_30 = arith.addi %iota3A_27, %add3A_29 : vector<16xi32>
    %swap3A_31 = arith.constant 0 : i32
    %swap3A_32 = arith.index_cast %swap3A_31 : i32 to index
    %swap3A_33 = arith.constant 48 : index
    %swap3A_34 = tpu.vector_load %arg11[%swap3A_32, %swap3A_33] {strides = array<i32>} : memref<1x80xi32, #tpu.memory_space<vmem>>, vector<16xi32>,
    tpu.vector_store %arg11[%swap3A_32, %swap3A_33], %add3A_30 {strides = array<i32>} : memref<1x80xi32, #tpu.memory_space<vmem>>, vector<16xi32>,
    %iota3A_35 = tpu.iota {dimensions = array<i32: 0>} : vector<16xi32>
    %add3A_36 = arith.constant 64 : i32
    %add3A_37 = vector.broadcast %add3A_36 : i32 to vector<16xi32>
    %add3A_38 = arith.addi %iota3A_35, %add3A_37 : vector<16xi32>
    %swap3A_39 = arith.constant 0 : i32
    %swap3A_40 = arith.index_cast %swap3A_39 : i32 to index
    %swap3A_41 = arith.constant 64 : index
    %swap3A_42 = tpu.vector_load %arg11[%swap3A_40, %swap3A_41] {strides = array<i32>} : memref<1x80xi32, #tpu.memory_space<vmem>>, vector<16xi32>,
    tpu.vector_store %arg11[%swap3A_40, %swap3A_41], %add3A_38 {strides = array<i32>} : memref<1x80xi32, #tpu.memory_space<vmem>>, vector<16xi32>,
    %scan3A = arith.constant 0 : i32
    %scan3A_43 = arith.constant 0 : i32
    %scan3A_44 = arith.constant 80 : i32
    %scan3A_45 = arith.addi %scan3A_43, %scan3A_44 : i32
    %scan3A_46 = arith.constant 1 : i32
    %scan3A_47 = scf.for %scan3A_69 = %scan3A_43 to %scan3A_45 step %scan3A_46 iter_args(%scan3A_70 = %scan3A) -> (i32)  : i32 {
      %broadcast_in_dim3A_71 = arith.constant 0.000000e+00 : f32
      %broadcast_in_dim3A_72 = vector.broadcast %broadcast_in_dim3A_71 : f32 to vector<16xf32>
      %swap3A_73 = arith.index_cast %scan3A_69 : i32 to index
      %swap3A_74 = arith.constant 0 : index
      %swap3A_75 = tpu.vector_load %arg8[%swap3A_73, %swap3A_74] {strides = array<i32>} : memref<80x16xf32, #tpu.memory_space<vmem>>, vector<16xf32>,
      tpu.vector_store %arg8[%swap3A_73, %swap3A_74], %broadcast_in_dim3A_72 {strides = array<i32>} : memref<80x16xf32, #tpu.memory_space<vmem>>, vector<16xf32>,
      %broadcast_in_dim3A_76 = arith.constant 0.000000e+00 : f32
      %broadcast_in_dim3A_77 = vector.broadcast %broadcast_in_dim3A_76 : f32 to vector<16xf32>
      %swap3A_78 = arith.index_cast %scan3A_69 : i32 to index
      %swap3A_79 = arith.constant 0 : index
      %swap3A_80 = tpu.vector_load %arg9[%swap3A_78, %swap3A_79] {strides = array<i32>} : memref<80x16xf32, #tpu.memory_space<vmem>>, vector<16xf32>,
      tpu.vector_store %arg9[%swap3A_78, %swap3A_79], %broadcast_in_dim3A_77 {strides = array<i32>} : memref<80x16xf32, #tpu.memory_space<vmem>>, vector<16xf32>,
      %scan3A_81 = arith.constant 0 : i32
      scf.yield %scan3A_81 : i32
    }
    %scan3A_48 = arith.constant 80 : i32
    %eq3A = arith.constant 0 : i32
    %eq3A_49 = arith.cmpi eq, %arg1, %eq3A : i32
    %convert_element_type3A = arith.extui %eq3A_49 : i1 to i32
    %cond3A = arith.constant 0 : i32
    %cond3A_50 = arith.cmpi ne, %convert_element_type3A, %cond3A : i32
    scf.if %cond3A_50 {
      "tpu.region"() ({
        %run_scoped3A_69 = tpu.sem_alloc : memref<!tpu.dma_semaphore, #tpu.memory_space<semaphore_mem>>
        tpu.enqueue_dma source(%arg8 : memref<80x16xf32, #tpu.memory_space<vmem>>) target(%arg12 : memref<80x16xf32, #tpu.memory_space<vmem_shared>>) target_semaphore(%run_scoped3A_69 : memref<!tpu.dma_semaphore, #tpu.memory_space<semaphore_mem>>)
        tpu.wait_dma2 semaphore(%run_scoped3A_69 : memref<!tpu.dma_semaphore, #tpu.memory_space<semaphore_mem>>) src(%arg8 : memref<80x16xf32, #tpu.memory_space<vmem>>) dst(%arg12 : memref<80x16xf32, #tpu.memory_space<vmem_shared>>)
        tpu.yield
      }) : () -> ()
      "tpu.region"() ({
        %run_scoped3A_69 = tpu.sem_alloc : memref<!tpu.dma_semaphore, #tpu.memory_space<semaphore_mem>>
        tpu.enqueue_dma source(%arg9 : memref<80x16xf32, #tpu.memory_space<vmem>>) target(%arg13 : memref<80x16xf32, #tpu.memory_space<vmem_shared>>) target_semaphore(%run_scoped3A_69 : memref<!tpu.dma_semaphore, #tpu.memory_space<semaphore_mem>>)
        tpu.wait_dma2 semaphore(%run_scoped3A_69 : memref<!tpu.dma_semaphore, #tpu.memory_space<semaphore_mem>>) src(%arg9 : memref<80x16xf32, #tpu.memory_space<vmem>>) dst(%arg13 : memref<80x16xf32, #tpu.memory_space<vmem_shared>>)
        tpu.yield
      }) : () -> ()
    } else {
    }
    %broadcast_in_dim3A = arith.constant 1.000000e+00 : f32
    %broadcast_in_dim3A_51 = vector.broadcast %broadcast_in_dim3A : f32 to vector<16xf32>
    %scan3A_52 = arith.constant 0 : i32
    %scan3A_53 = arith.constant 0 : i32
    %scan3A_54 = arith.constant 25 : i32
    %scan3A_55 = arith.addi %scan3A_53, %scan3A_54 : i32
    %scan3A_56 = arith.constant 1 : i32
    %scan3A_57 = scf.for %scan3A_69 = %scan3A_53 to %scan3A_55 step %scan3A_56 iter_args(%scan3A_70 = %scan3A_52) -> (i32)  : i32 {
      %get3A = arith.index_cast %scan3A_69 : i32 to index
      %get3A_71 = arith.constant 0 : index
      %get3A_72 = tpu.vector_load %arg6[%get3A, %get3A_71] {strides = array<i32>} : memref<25x128xf32, #tpu.memory_space<vmem>>, vector<16xf32>,
      %get3A_73 = arith.index_cast %scan3A_69 : i32 to index
      %get3A_74 = arith.constant 0 : index
      %get3A_75 = tpu.vector_load %arg7[%get3A_73, %get3A_74] {strides = array<i32>} : memref<25x128xi32, #tpu.memory_space<vmem>>, vector<16xi32>,
      %shift_right_arithmetic3A = arith.constant 4 : i32
      %shift_right_arithmetic3A_76 = vector.broadcast %shift_right_arithmetic3A : i32 to vector<16xi32>
      %shift_right_arithmetic3A_77 = arith.shrsi %get3A_75, %shift_right_arithmetic3A_76 : vector<16xi32>
      %and3A = arith.constant 15 : i32
      %and3A_78 = vector.broadcast %and3A : i32 to vector<16xi32>
      %and3A_79 = arith.andi %get3A_75, %and3A_78 : vector<16xi32>
      tpu.vector_store_idx %arg8[%shift_right_arithmetic3A_77, %and3A_79], %get3A_72 {add = true} : memref<80x16xf32, #tpu.memory_space<vmem>>[vector<16xi32>, vector<16xi32>], vector<16xf32>,
      tpu.vector_store_idx %arg9[%shift_right_arithmetic3A_77, %and3A_79], %broadcast_in_dim3A_51 {add = true} : memref<80x16xf32, #tpu.memory_space<vmem>>[vector<16xi32>, vector<16xi32>], vector<16xf32>,
      %get3A_80 = arith.index_cast %scan3A_69 : i32 to index
      %get3A_81 = arith.constant 16 : index
      %get3A_82 = tpu.vector_load %arg6[%get3A_80, %get3A_81] {strides = array<i32>} : memref<25x128xf32, #tpu.memory_space<vmem>>, vector<16xf32>,
      %get3A_83 = arith.index_cast %scan3A_69 : i32 to index
      %get3A_84 = arith.constant 16 : index
      %get3A_85 = tpu.vector_load %arg7[%get3A_83, %get3A_84] {strides = array<i32>} : memref<25x128xi32, #tpu.memory_space<vmem>>, vector<16xi32>,
      %shift_right_arithmetic3A_86 = arith.constant 4 : i32
      %shift_right_arithmetic3A_87 = vector.broadcast %shift_right_arithmetic3A_86 : i32 to vector<16xi32>
      %shift_right_arithmetic3A_88 = arith.shrsi %get3A_85, %shift_right_arithmetic3A_87 : vector<16xi32>
      %and3A_89 = arith.constant 15 : i32
      %and3A_90 = vector.broadcast %and3A_89 : i32 to vector<16xi32>
      %and3A_91 = arith.andi %get3A_85, %and3A_90 : vector<16xi32>
      tpu.vector_store_idx %arg8[%shift_right_arithmetic3A_88, %and3A_91], %get3A_82 {add = true} : memref<80x16xf32, #tpu.memory_space<vmem>>[vector<16xi32>, vector<16xi32>], vector<16xf32>,
      tpu.vector_store_idx %arg9[%shift_right_arithmetic3A_88, %and3A_91], %broadcast_in_dim3A_51 {add = true} : memref<80x16xf32, #tpu.memory_space<vmem>>[vector<16xi32>, vector<16xi32>], vector<16xf32>,
      %get3A_92 = arith.index_cast %scan3A_69 : i32 to index
      %get3A_93 = arith.constant 32 : index
      %get3A_94 = tpu.vector_load %arg6[%get3A_92, %get3A_93] {strides = array<i32>} : memref<25x128xf32, #tpu.memory_space<vmem>>, vector<16xf32>,
      %get3A_95 = arith.index_cast %scan3A_69 : i32 to index
      %get3A_96 = arith.constant 32 : index
      %get3A_97 = tpu.vector_load %arg7[%get3A_95, %get3A_96] {strides = array<i32>} : memref<25x128xi32, #tpu.memory_space<vmem>>, vector<16xi32>,
      %shift_right_arithmetic3A_98 = arith.constant 4 : i32
      %shift_right_arithmetic3A_99 = vector.broadcast %shift_right_arithmetic3A_98 : i32 to vector<16xi32>
      %shift_right_arithmetic3A_100 = arith.shrsi %get3A_97, %shift_right_arithmetic3A_99 : vector<16xi32>
      %and3A_101 = arith.constant 15 : i32
      %and3A_102 = vector.broadcast %and3A_101 : i32 to vector<16xi32>
      %and3A_103 = arith.andi %get3A_97, %and3A_102 : vector<16xi32>
      tpu.vector_store_idx %arg8[%shift_right_arithmetic3A_100, %and3A_103], %get3A_94 {add = true} : memref<80x16xf32, #tpu.memory_space<vmem>>[vector<16xi32>, vector<16xi32>], vector<16xf32>,
      tpu.vector_store_idx %arg9[%shift_right_arithmetic3A_100, %and3A_103], %broadcast_in_dim3A_51 {add = true} : memref<80x16xf32, #tpu.memory_space<vmem>>[vector<16xi32>, vector<16xi32>], vector<16xf32>,
      %get3A_104 = arith.index_cast %scan3A_69 : i32 to index
      %get3A_105 = arith.constant 48 : index
      %get3A_106 = tpu.vector_load %arg6[%get3A_104, %get3A_105] {strides = array<i32>} : memref<25x128xf32, #tpu.memory_space<vmem>>, vector<16xf32>,
      %get3A_107 = arith.index_cast %scan3A_69 : i32 to index
      %get3A_108 = arith.constant 48 : index
      %get3A_109 = tpu.vector_load %arg7[%get3A_107, %get3A_108] {strides = array<i32>} : memref<25x128xi32, #tpu.memory_space<vmem>>, vector<16xi32>,
      %shift_right_arithmetic3A_110 = arith.constant 4 : i32
      %shift_right_arithmetic3A_111 = vector.broadcast %shift_right_arithmetic3A_110 : i32 to vector<16xi32>
      %shift_right_arithmetic3A_112 = arith.shrsi %get3A_109, %shift_right_arithmetic3A_111 : vector<16xi32>
      %and3A_113 = arith.constant 15 : i32
      %and3A_114 = vector.broadcast %and3A_113 : i32 to vector<16xi32>
      %and3A_115 = arith.andi %get3A_109, %and3A_114 : vector<16xi32>
      tpu.vector_store_idx %arg8[%shift_right_arithmetic3A_112, %and3A_115], %get3A_106 {add = true} : memref<80x16xf32, #tpu.memory_space<vmem>>[vector<16xi32>, vector<16xi32>], vector<16xf32>,
      tpu.vector_store_idx %arg9[%shift_right_arithmetic3A_112, %and3A_115], %broadcast_in_dim3A_51 {add = true} : memref<80x16xf32, #tpu.memory_space<vmem>>[vector<16xi32>, vector<16xi32>], vector<16xf32>,
      %get3A_116 = arith.index_cast %scan3A_69 : i32 to index
      %get3A_117 = arith.constant 64 : index
      %get3A_118 = tpu.vector_load %arg6[%get3A_116, %get3A_117] {strides = array<i32>} : memref<25x128xf32, #tpu.memory_space<vmem>>, vector<16xf32>,
      %get3A_119 = arith.index_cast %scan3A_69 : i32 to index
      %get3A_120 = arith.constant 64 : index
      %get3A_121 = tpu.vector_load %arg7[%get3A_119, %get3A_120] {strides = array<i32>} : memref<25x128xi32, #tpu.memory_space<vmem>>, vector<16xi32>,
      %shift_right_arithmetic3A_122 = arith.constant 4 : i32
      %shift_right_arithmetic3A_123 = vector.broadcast %shift_right_arithmetic3A_122 : i32 to vector<16xi32>
      %shift_right_arithmetic3A_124 = arith.shrsi %get3A_121, %shift_right_arithmetic3A_123 : vector<16xi32>
      %and3A_125 = arith.constant 15 : i32
      %and3A_126 = vector.broadcast %and3A_125 : i32 to vector<16xi32>
      %and3A_127 = arith.andi %get3A_121, %and3A_126 : vector<16xi32>
      tpu.vector_store_idx %arg8[%shift_right_arithmetic3A_124, %and3A_127], %get3A_118 {add = true} : memref<80x16xf32, #tpu.memory_space<vmem>>[vector<16xi32>, vector<16xi32>], vector<16xf32>,
      tpu.vector_store_idx %arg9[%shift_right_arithmetic3A_124, %and3A_127], %broadcast_in_dim3A_51 {add = true} : memref<80x16xf32, #tpu.memory_space<vmem>>[vector<16xi32>, vector<16xi32>], vector<16xf32>,
      %get3A_128 = arith.index_cast %scan3A_69 : i32 to index
      %get3A_129 = arith.constant 80 : index
      %get3A_130 = tpu.vector_load %arg6[%get3A_128, %get3A_129] {strides = array<i32>} : memref<25x128xf32, #tpu.memory_space<vmem>>, vector<16xf32>,
      %get3A_131 = arith.index_cast %scan3A_69 : i32 to index
      %get3A_132 = arith.constant 80 : index
      %get3A_133 = tpu.vector_load %arg7[%get3A_131, %get3A_132] {strides = array<i32>} : memref<25x128xi32, #tpu.memory_space<vmem>>, vector<16xi32>,
      %shift_right_arithmetic3A_134 = arith.constant 4 : i32
      %shift_right_arithmetic3A_135 = vector.broadcast %shift_right_arithmetic3A_134 : i32 to vector<16xi32>
      %shift_right_arithmetic3A_136 = arith.shrsi %get3A_133, %shift_right_arithmetic3A_135 : vector<16xi32>
      %and3A_137 = arith.constant 15 : i32
      %and3A_138 = vector.broadcast %and3A_137 : i32 to vector<16xi32>
      %and3A_139 = arith.andi %get3A_133, %and3A_138 : vector<16xi32>
      tpu.vector_store_idx %arg8[%shift_right_arithmetic3A_136, %and3A_139], %get3A_130 {add = true} : memref<80x16xf32, #tpu.memory_space<vmem>>[vector<16xi32>, vector<16xi32>], vector<16xf32>,
      tpu.vector_store_idx %arg9[%shift_right_arithmetic3A_136, %and3A_139], %broadcast_in_dim3A_51 {add = true} : memref<80x16xf32, #tpu.memory_space<vmem>>[vector<16xi32>, vector<16xi32>], vector<16xf32>,
      %get3A_140 = arith.index_cast %scan3A_69 : i32 to index
      %get3A_141 = arith.constant 96 : index
      %get3A_142 = tpu.vector_load %arg6[%get3A_140, %get3A_141] {strides = array<i32>} : memref<25x128xf32, #tpu.memory_space<vmem>>, vector<16xf32>,
      %get3A_143 = arith.index_cast %scan3A_69 : i32 to index
      %get3A_144 = arith.constant 96 : index
      %get3A_145 = tpu.vector_load %arg7[%get3A_143, %get3A_144] {strides = array<i32>} : memref<25x128xi32, #tpu.memory_space<vmem>>, vector<16xi32>,
      %shift_right_arithmetic3A_146 = arith.constant 4 : i32
      %shift_right_arithmetic3A_147 = vector.broadcast %shift_right_arithmetic3A_146 : i32 to vector<16xi32>
      %shift_right_arithmetic3A_148 = arith.shrsi %get3A_145, %shift_right_arithmetic3A_147 : vector<16xi32>
      %and3A_149 = arith.constant 15 : i32
      %and3A_150 = vector.broadcast %and3A_149 : i32 to vector<16xi32>
      %and3A_151 = arith.andi %get3A_145, %and3A_150 : vector<16xi32>
      tpu.vector_store_idx %arg8[%shift_right_arithmetic3A_148, %and3A_151], %get3A_142 {add = true} : memref<80x16xf32, #tpu.memory_space<vmem>>[vector<16xi32>, vector<16xi32>], vector<16xf32>,
      tpu.vector_store_idx %arg9[%shift_right_arithmetic3A_148, %and3A_151], %broadcast_in_dim3A_51 {add = true} : memref<80x16xf32, #tpu.memory_space<vmem>>[vector<16xi32>, vector<16xi32>], vector<16xf32>,
      %get3A_152 = arith.index_cast %scan3A_69 : i32 to index
      %get3A_153 = arith.constant 112 : index
      %get3A_154 = tpu.vector_load %arg6[%get3A_152, %get3A_153] {strides = array<i32>} : memref<25x128xf32, #tpu.memory_space<vmem>>, vector<16xf32>,
      %get3A_155 = arith.index_cast %scan3A_69 : i32 to index
      %get3A_156 = arith.constant 112 : index
      %get3A_157 = tpu.vector_load %arg7[%get3A_155, %get3A_156] {strides = array<i32>} : memref<25x128xi32, #tpu.memory_space<vmem>>, vector<16xi32>,
      %shift_right_arithmetic3A_158 = arith.constant 4 : i32
      %shift_right_arithmetic3A_159 = vector.broadcast %shift_right_arithmetic3A_158 : i32 to vector<16xi32>
      %shift_right_arithmetic3A_160 = arith.shrsi %get3A_157, %shift_right_arithmetic3A_159 : vector<16xi32>
      %and3A_161 = arith.constant 15 : i32
      %and3A_162 = vector.broadcast %and3A_161 : i32 to vector<16xi32>
      %and3A_163 = arith.andi %get3A_157, %and3A_162 : vector<16xi32>
      tpu.vector_store_idx %arg8[%shift_right_arithmetic3A_160, %and3A_163], %get3A_154 {add = true} : memref<80x16xf32, #tpu.memory_space<vmem>>[vector<16xi32>, vector<16xi32>], vector<16xf32>,
      tpu.vector_store_idx %arg9[%shift_right_arithmetic3A_160, %and3A_163], %broadcast_in_dim3A_51 {add = true} : memref<80x16xf32, #tpu.memory_space<vmem>>[vector<16xi32>, vector<16xi32>], vector<16xf32>,
      %scan3A_164 = arith.constant 0 : i32
      scf.yield %scan3A_164 : i32
    }
    %scan3A_58 = arith.constant 25 : i32
    %barrier3A = arith.constant 0 : index
    tpu.barrier barrier_id(%barrier3A)
    %run_scoped3A = arith.constant 0 : i32
    "tpu.region"() ({
      %run_scoped3A_69 = tpu.sem_alloc : memref<!tpu.dma_semaphore, #tpu.memory_space<semaphore_mem>>
      %dma_start3A = arith.constant 0 : i32
      %dma_start3A_70 = tpu.memref_slice %arg11[%run_scoped3A, %dma_start3A] : memref<1x80xi32, #tpu.memory_space<vmem>> -> memref<1x80xi32, #tpu.memory_space<vmem>>
      %dma_start3A_71 = tpu.memref_squeeze %dma_start3A_70 : memref<1x80xi32, #tpu.memory_space<vmem>> -> memref<80xi32, #tpu.memory_space<vmem>>
      %dma_start3A_72 = arith.constant 0 : i32
      %dma_start3A_73 = arith.constant 0 : i32
      %dma_start3A_74 = tpu.memref_slice %arg12[%dma_start3A_72, %dma_start3A_73] : memref<80x16xf32, #tpu.memory_space<vmem_shared>> -> memref<80x16xf32, #tpu.memory_space<vmem_shared>>
      tpu.enqueue_indirect_dma source(%arg8 : memref<80x16xf32, #tpu.memory_space<vmem>>) target(%dma_start3A_74 : memref<80x16xf32, #tpu.memory_space<vmem_shared>>) offsets(%dma_start3A_71 : memref<80xi32, #tpu.memory_space<vmem>>) semaphore(%run_scoped3A_69 : memref<!tpu.dma_semaphore, #tpu.memory_space<semaphore_mem>>) {add = true}
      %dma_wait3A = arith.constant 0 : i32
      %dma_wait3A_75 = tpu.memref_slice %arg11[%run_scoped3A, %dma_wait3A] : memref<1x80xi32, #tpu.memory_space<vmem>> -> memref<1x80xi32, #tpu.memory_space<vmem>>
      %dma_wait3A_76 = tpu.memref_squeeze %dma_wait3A_75 : memref<1x80xi32, #tpu.memory_space<vmem>> -> memref<80xi32, #tpu.memory_space<vmem>>
      %dma_wait3A_77 = arith.constant 0 : i32
      %dma_wait3A_78 = arith.constant 0 : i32
      %dma_wait3A_79 = tpu.memref_slice %arg12[%dma_wait3A_77, %dma_wait3A_78] : memref<80x16xf32, #tpu.memory_space<vmem_shared>> -> memref<80x16xf32, #tpu.memory_space<vmem_shared>>
      tpu.wait_indirect_dma semaphore(%run_scoped3A_69 : memref<!tpu.dma_semaphore, #tpu.memory_space<semaphore_mem>>) src(%arg8 : memref<80x16xf32, #tpu.memory_space<vmem>>) dst(%dma_wait3A_79 : memref<80x16xf32, #tpu.memory_space<vmem_shared>>)
      tpu.yield
    }) : () -> ()
    %run_scoped3A_59 = arith.constant 0 : i32
    "tpu.region"() ({
      %run_scoped3A_69 = tpu.sem_alloc : memref<!tpu.dma_semaphore, #tpu.memory_space<semaphore_mem>>
      %dma_start3A = arith.constant 0 : i32
      %dma_start3A_70 = tpu.memref_slice %arg11[%run_scoped3A_59, %dma_start3A] : memref<1x80xi32, #tpu.memory_space<vmem>> -> memref<1x80xi32, #tpu.memory_space<vmem>>
      %dma_start3A_71 = tpu.memref_squeeze %dma_start3A_70 : memref<1x80xi32, #tpu.memory_space<vmem>> -> memref<80xi32, #tpu.memory_space<vmem>>
      %dma_start3A_72 = arith.constant 0 : i32
      %dma_start3A_73 = arith.constant 0 : i32
      %dma_start3A_74 = tpu.memref_slice %arg13[%dma_start3A_72, %dma_start3A_73] : memref<80x16xf32, #tpu.memory_space<vmem_shared>> -> memref<80x16xf32, #tpu.memory_space<vmem_shared>>
      tpu.enqueue_indirect_dma source(%arg9 : memref<80x16xf32, #tpu.memory_space<vmem>>) target(%dma_start3A_74 : memref<80x16xf32, #tpu.memory_space<vmem_shared>>) offsets(%dma_start3A_71 : memref<80xi32, #tpu.memory_space<vmem>>) semaphore(%run_scoped3A_69 : memref<!tpu.dma_semaphore, #tpu.memory_space<semaphore_mem>>) {add = true}
      %dma_wait3A = arith.constant 0 : i32
      %dma_wait3A_75 = tpu.memref_slice %arg11[%run_scoped3A_59, %dma_wait3A] : memref<1x80xi32, #tpu.memory_space<vmem>> -> memref<1x80xi32, #tpu.memory_space<vmem>>
      %dma_wait3A_76 = tpu.memref_squeeze %dma_wait3A_75 : memref<1x80xi32, #tpu.memory_space<vmem>> -> memref<80xi32, #tpu.memory_space<vmem>>
      %dma_wait3A_77 = arith.constant 0 : i32
      %dma_wait3A_78 = arith.constant 0 : i32
      %dma_wait3A_79 = tpu.memref_slice %arg13[%dma_wait3A_77, %dma_wait3A_78] : memref<80x16xf32, #tpu.memory_space<vmem_shared>> -> memref<80x16xf32, #tpu.memory_space<vmem_shared>>
      tpu.wait_indirect_dma semaphore(%run_scoped3A_69 : memref<!tpu.dma_semaphore, #tpu.memory_space<semaphore_mem>>) src(%arg9 : memref<80x16xf32, #tpu.memory_space<vmem>>) dst(%dma_wait3A_79 : memref<80x16xf32, #tpu.memory_space<vmem_shared>>)
      tpu.yield
    }) : () -> ()
    %barrier3A_60 = arith.constant 0 : index
    tpu.barrier barrier_id(%barrier3A_60)
    %mul3A_61 = arith.constant 4 : i32
    %mul3A_62 = arith.muli %arg1, %mul3A_61 : i32
    "tpu.region"() ({
      %run_scoped3A_69 = tpu.sem_alloc : memref<!tpu.dma_semaphore, #tpu.memory_space<semaphore_mem>>
      %dma_start3A = arith.constant 0 : i32
      %dma_start3A_70 = tpu.memref_slice %arg12[%mul3A_62, %dma_start3A] : memref<80x16xf32, #tpu.memory_space<vmem_shared>> -> memref<4x16xf32, #tpu.memory_space<vmem_shared>>
      %dma_start3A_71 = arith.constant 0 : i32
      %dma_start3A_72 = tpu.memref_slice %arg12[%mul3A_62, %dma_start3A_71] : memref<80x16xf32, #tpu.memory_space<vmem_shared>> -> memref<4x16xf32, #tpu.memory_space<vmem_shared>>
      tpu.enqueue_dma source(%dma_start3A_72 : memref<4x16xf32, #tpu.memory_space<vmem_shared>>) target(%arg10 : memref<4x16xf32, #tpu.memory_space<vmem>>) target_semaphore(%run_scoped3A_69 : memref<!tpu.dma_semaphore, #tpu.memory_space<semaphore_mem>>)
      %dma_wait3A = arith.constant 0 : i32
      %dma_wait3A_73 = tpu.memref_slice %arg12[%mul3A_62, %dma_wait3A] : memref<80x16xf32, #tpu.memory_space<vmem_shared>> -> memref<4x16xf32, #tpu.memory_space<vmem_shared>>
      %dma_wait3A_74 = arith.constant 0 : i32
      %dma_wait3A_75 = tpu.memref_slice %arg12[%mul3A_62, %dma_wait3A_74] : memref<80x16xf32, #tpu.memory_space<vmem_shared>> -> memref<4x16xf32, #tpu.memory_space<vmem_shared>>
      tpu.wait_dma2 semaphore(%run_scoped3A_69 : memref<!tpu.dma_semaphore, #tpu.memory_space<semaphore_mem>>) src(%dma_wait3A_75 : memref<4x16xf32, #tpu.memory_space<vmem_shared>>) dst(%arg10 : memref<4x16xf32, #tpu.memory_space<vmem>>)
      tpu.yield
    }) : () -> ()
    %mul3A_63 = arith.constant 4 : i32
    %mul3A_64 = arith.muli %arg1, %mul3A_63 : i32
    "tpu.region"() ({
      %run_scoped3A_69 = tpu.sem_alloc : memref<!tpu.dma_semaphore, #tpu.memory_space<semaphore_mem>>
      %dma_start3A = arith.constant 0 : i32
      %dma_start3A_70 = tpu.memref_slice %arg4[%arg0, %mul3A_64, %dma_start3A] : memref<2x64x16xf32, #tpu.memory_space<hbm>> -> memref<1x4x16xf32, #tpu.memory_space<hbm>>
      %dma_start3A_71 = tpu.memref_squeeze %dma_start3A_70 : memref<1x4x16xf32, #tpu.memory_space<hbm>> -> memref<4x16xf32, #tpu.memory_space<hbm>>
      %dma_start3A_72 = arith.constant 0 : i32
      %dma_start3A_73 = tpu.memref_slice %arg4[%arg0, %mul3A_64, %dma_start3A_72] : memref<2x64x16xf32, #tpu.memory_space<hbm>> -> memref<1x4x16xf32, #tpu.memory_space<hbm>>
      %dma_start3A_74 = tpu.memref_squeeze %dma_start3A_73 : memref<1x4x16xf32, #tpu.memory_space<hbm>> -> memref<4x16xf32, #tpu.memory_space<hbm>>
      tpu.enqueue_dma source(%arg10 : memref<4x16xf32, #tpu.memory_space<vmem>>) target(%dma_start3A_74 : memref<4x16xf32, #tpu.memory_space<hbm>>) target_semaphore(%run_scoped3A_69 : memref<!tpu.dma_semaphore, #tpu.memory_space<semaphore_mem>>)
      %dma_wait3A = arith.constant 0 : i32
      %dma_wait3A_75 = tpu.memref_slice %arg4[%arg0, %mul3A_64, %dma_wait3A] : memref<2x64x16xf32, #tpu.memory_space<hbm>> -> memref<1x4x16xf32, #tpu.memory_space<hbm>>
      %dma_wait3A_76 = tpu.memref_squeeze %dma_wait3A_75 : memref<1x4x16xf32, #tpu.memory_space<hbm>> -> memref<4x16xf32, #tpu.memory_space<hbm>>
      %dma_wait3A_77 = arith.constant 0 : i32
      %dma_wait3A_78 = tpu.memref_slice %arg4[%arg0, %mul3A_64, %dma_wait3A_77] : memref<2x64x16xf32, #tpu.memory_space<hbm>> -> memref<1x4x16xf32, #tpu.memory_space<hbm>>
      %dma_wait3A_79 = tpu.memref_squeeze %dma_wait3A_78 : memref<1x4x16xf32, #tpu.memory_space<hbm>> -> memref<4x16xf32, #tpu.memory_space<hbm>>
      tpu.wait_dma2 semaphore(%run_scoped3A_69 : memref<!tpu.dma_semaphore, #tpu.memory_space<semaphore_mem>>) src(%arg10 : memref<4x16xf32, #tpu.memory_space<vmem>>) dst(%dma_wait3A_79 : memref<4x16xf32, #tpu.memory_space<hbm>>)
      tpu.yield
    }) : () -> ()
    %mul3A_65 = arith.constant 4 : i32
    %mul3A_66 = arith.muli %arg1, %mul3A_65 : i32
    "tpu.region"() ({
      %run_scoped3A_69 = tpu.sem_alloc : memref<!tpu.dma_semaphore, #tpu.memory_space<semaphore_mem>>
      %dma_start3A = arith.constant 0 : i32
      %dma_start3A_70 = tpu.memref_slice %arg13[%mul3A_66, %dma_start3A] : memref<80x16xf32, #tpu.memory_space<vmem_shared>> -> memref<4x16xf32, #tpu.memory_space<vmem_shared>>
      %dma_start3A_71 = arith.constant 0 : i32
      %dma_start3A_72 = tpu.memref_slice %arg13[%mul3A_66, %dma_start3A_71] : memref<80x16xf32, #tpu.memory_space<vmem_shared>> -> memref<4x16xf32, #tpu.memory_space<vmem_shared>>
      tpu.enqueue_dma source(%dma_start3A_72 : memref<4x16xf32, #tpu.memory_space<vmem_shared>>) target(%arg10 : memref<4x16xf32, #tpu.memory_space<vmem>>) target_semaphore(%run_scoped3A_69 : memref<!tpu.dma_semaphore, #tpu.memory_space<semaphore_mem>>)
      %dma_wait3A = arith.constant 0 : i32
      %dma_wait3A_73 = tpu.memref_slice %arg13[%mul3A_66, %dma_wait3A] : memref<80x16xf32, #tpu.memory_space<vmem_shared>> -> memref<4x16xf32, #tpu.memory_space<vmem_shared>>
      %dma_wait3A_74 = arith.constant 0 : i32
      %dma_wait3A_75 = tpu.memref_slice %arg13[%mul3A_66, %dma_wait3A_74] : memref<80x16xf32, #tpu.memory_space<vmem_shared>> -> memref<4x16xf32, #tpu.memory_space<vmem_shared>>
      tpu.wait_dma2 semaphore(%run_scoped3A_69 : memref<!tpu.dma_semaphore, #tpu.memory_space<semaphore_mem>>) src(%dma_wait3A_75 : memref<4x16xf32, #tpu.memory_space<vmem_shared>>) dst(%arg10 : memref<4x16xf32, #tpu.memory_space<vmem>>)
      tpu.yield
    }) : () -> ()
    %mul3A_67 = arith.constant 4 : i32
    %mul3A_68 = arith.muli %arg1, %mul3A_67 : i32
    "tpu.region"() ({
      %run_scoped3A_69 = tpu.sem_alloc : memref<!tpu.dma_semaphore, #tpu.memory_space<semaphore_mem>>
      %dma_start3A = arith.constant 0 : i32
      %dma_start3A_70 = tpu.memref_slice %arg5[%arg0, %mul3A_68, %dma_start3A] : memref<2x64x16xf32, #tpu.memory_space<hbm>> -> memref<1x4x16xf32, #tpu.memory_space<hbm>>
      %dma_start3A_71 = tpu.memref_squeeze %dma_start3A_70 : memref<1x4x16xf32, #tpu.memory_space<hbm>> -> memref<4x16xf32, #tpu.memory_space<hbm>>
      %dma_start3A_72 = arith.constant 0 : i32
      %dma_start3A_73 = tpu.memref_slice %arg5[%arg0, %mul3A_68, %dma_start3A_72] : memref<2x64x16xf32, #tpu.memory_space<hbm>> -> memref<1x4x16xf32, #tpu.memory_space<hbm>>
      %dma_start3A_74 = tpu.memref_squeeze %dma_start3A_73 : memref<1x4x16xf32, #tpu.memory_space<hbm>> -> memref<4x16xf32, #tpu.memory_space<hbm>>
      tpu.enqueue_dma source(%arg10 : memref<4x16xf32, #tpu.memory_space<vmem>>) target(%dma_start3A_74 : memref<4x16xf32, #tpu.memory_space<hbm>>) target_semaphore(%run_scoped3A_69 : memref<!tpu.dma_semaphore, #tpu.memory_space<semaphore_mem>>)
      %dma_wait3A = arith.constant 0 : i32
      %dma_wait3A_75 = tpu.memref_slice %arg5[%arg0, %mul3A_68, %dma_wait3A] : memref<2x64x16xf32, #tpu.memory_space<hbm>> -> memref<1x4x16xf32, #tpu.memory_space<hbm>>
      %dma_wait3A_76 = tpu.memref_squeeze %dma_wait3A_75 : memref<1x4x16xf32, #tpu.memory_space<hbm>> -> memref<4x16xf32, #tpu.memory_space<hbm>>
      %dma_wait3A_77 = arith.constant 0 : i32
      %dma_wait3A_78 = tpu.memref_slice %arg5[%arg0, %mul3A_68, %dma_wait3A_77] : memref<2x64x16xf32, #tpu.memory_space<hbm>> -> memref<1x4x16xf32, #tpu.memory_space<hbm>>
      %dma_wait3A_79 = tpu.memref_squeeze %dma_wait3A_78 : memref<1x4x16xf32, #tpu.memory_space<hbm>> -> memref<4x16xf32, #tpu.memory_space<hbm>>
      tpu.wait_dma2 semaphore(%run_scoped3A_69 : memref<!tpu.dma_semaphore, #tpu.memory_space<semaphore_mem>>) src(%arg10 : memref<4x16xf32, #tpu.memory_space<vmem>>) dst(%dma_wait3A_79 : memref<4x16xf32, #tpu.memory_space<hbm>>)
      tpu.yield
    }) : () -> ()
    return
  }
}

module attributes {stable_mosaic.version = 14 : i64} {
  func.func @_tca_body(%arg0: i32, %arg1: memref<8192x64xf32, #tpu.memory_space<vmem>>, %arg2: memref<64x1xf32, #tpu.memory_space<vmem>>, %arg3: memref<64x128xf32, #tpu.memory_space<vmem>>) attributes {dimension_semantics = [#tpu.dimension_semantics<arbitrary>], iteration_bounds = array<i64: 12>, scalar_prefetch = 0 : i64, scratch_operands = 0 : i64, tpu.core_type = #tpu.core_type<tc>, window_params = [{transform_indices = @transform_0, window_bounds = array<i64: 8192, 64>}, {pipeline_mode = #tpu.pipeline_mode<synchronous>, transform_indices = @transform_1, window_bounds = array<i64: 64, 1>}, {transform_indices = @transform_2, window_bounds = array<i64: 64, 128>}]} {
    %get3A = arith.constant 0 : index
    %get3A_0 = arith.constant 0 : index
    %get3A_1 = vector.load %arg1[%get3A, %get3A_0] : memref<8192x64xf32, #tpu.memory_space<vmem>>, vector<8192x64xf32>
    %get3A_2 = arith.constant 0 : index
    %get3A_3 = arith.constant 0 : index
    %get3A_4 = vector.load %arg2[%get3A_2, %get3A_3] : memref<64x1xf32, #tpu.memory_space<vmem>>, vector<64x1xf32>
    %reshape3A = vector.shape_cast %get3A_4 : vector<64x1xf32> to vector<1x64xf32>
    %mul3A = vector.broadcast %reshape3A : vector<1x64xf32> to vector<8192x64xf32>
    %mul3A_5 = arith.mulf %get3A_1, %mul3A : vector<8192x64xf32>
    %reduce_sum3A = arith.constant dense<0.000000e+00> : vector<8192xf32>
    %reduce_sum3A_6 = vector.multi_reduction <add>, %mul3A_5, %reduce_sum3A [1] : vector<8192x64xf32> to vector<8192xf32>
    %reshape3A_7 = vector.shape_cast %reduce_sum3A_6 : vector<8192xf32> to vector<64x128xf32>
    %swap3A = arith.constant 0 : index
    %swap3A_8 = arith.constant 0 : index
    %swap3A_9 = vector.load %arg3[%swap3A, %swap3A_8] : memref<64x128xf32, #tpu.memory_space<vmem>>, vector<64x128xf32>
    tpu.vector_store %arg3[%swap3A, %swap3A_8], %reshape3A_7 {strides = array<i32>} : memref<64x128xf32, #tpu.memory_space<vmem>>, vector<64x128xf32>,
    return
  }
  func.func @transform_0(%arg0: i32) -> (i32, i32) {
    %c0_i32 = arith.constant 0 : i32
    %c0_i32_0 = arith.constant 0 : i32
    return %arg0, %c0_i32 : i32, i32
  }
  func.func @transform_1(%arg0: i32) -> (i32, i32) {
    %c0_i32 = arith.constant 0 : i32
    %c0_i32_0 = arith.constant 0 : i32
    %c0_i32_1 = arith.constant 0 : i32
    return %c0_i32, %c0_i32_0 : i32, i32
  }
  func.func @transform_2(%arg0: i32) -> (i32, i32) {
    %c0_i32 = arith.constant 0 : i32
    %c0_i32_0 = arith.constant 0 : i32
    return %arg0, %c0_i32 : i32, i32
  }
}

module attributes {stable_mosaic.version = 14 : i64} {
  func.func @_tca_tail_body(%arg0: memref<1696x64xf32, #tpu.memory_space<vmem>>, %arg1: memref<64x1xf32, #tpu.memory_space<vmem>>, %arg2: memref<32x128xf32, #tpu.memory_space<vmem>>) attributes {dimension_semantics = [], scalar_prefetch = 0 : i64, scratch_operands = 0 : i64, tpu.core_type = #tpu.core_type<tc>} {
    %get3A = arith.constant 0 : index
    %get3A_0 = arith.constant 0 : index
    %get3A_1 = vector.load %arg0[%get3A, %get3A_0] : memref<1696x64xf32, #tpu.memory_space<vmem>>, vector<1696x64xf32>
    %get3A_2 = arith.constant 0 : index
    %get3A_3 = arith.constant 0 : index
    %get3A_4 = vector.load %arg1[%get3A_2, %get3A_3] : memref<64x1xf32, #tpu.memory_space<vmem>>, vector<64x1xf32>
    %reshape3A = vector.shape_cast %get3A_4 : vector<64x1xf32> to vector<1x64xf32>
    %mul3A = vector.broadcast %reshape3A : vector<1x64xf32> to vector<1696x64xf32>
    %mul3A_5 = arith.mulf %get3A_1, %mul3A : vector<1696x64xf32>
    %reduce_sum3A = arith.constant dense<0.000000e+00> : vector<1696xf32>
    %reduce_sum3A_6 = vector.multi_reduction <add>, %mul3A_5, %reduce_sum3A [1] : vector<1696x64xf32> to vector<1696xf32>
    %reshape3A_7 = vector.shape_cast %reduce_sum3A_6 : vector<1696xf32> to vector<1x1696xf32>
    %slice3A = vector.extract_strided_slice %reshape3A_7 {offsets = [0, 1664], sizes = [1, 32], strides = [1, 1]} : vector<1x1696xf32> to vector<1x32xf32>
    %broadcast_in_dim3A = arith.constant 0.000000e+00 : f32
    %broadcast_in_dim3A_8 = vector.broadcast %broadcast_in_dim3A : f32 to vector<1x96xf32>
    %concatenate3A = tpu.concatenate %slice3A, %broadcast_in_dim3A_8 in 1 : vector<1x32xf32>, vector<1x96xf32> -> vector<1x128xf32>
    %slice3A_9 = vector.extract_strided_slice %reshape3A_7 {offsets = [0, 0], sizes = [1, 1664], strides = [1, 1]} : vector<1x1696xf32> to vector<1x1664xf32>
    %reshape3A_10 = vector.shape_cast %slice3A_9 : vector<1x1664xf32> to vector<13x128xf32>
    %broadcast_in_dim3A_11 = arith.constant 0.000000e+00 : f32
    %broadcast_in_dim3A_12 = vector.broadcast %broadcast_in_dim3A_11 : f32 to vector<18x128xf32>
    %concatenate3A_13 = tpu.concatenate %reshape3A_10, %concatenate3A, %broadcast_in_dim3A_12 in 0 : vector<13x128xf32>, vector<1x128xf32>, vector<18x128xf32> -> vector<32x128xf32>
    %swap3A = arith.constant 0 : index
    %swap3A_14 = arith.constant 0 : index
    %swap3A_15 = vector.load %arg2[%swap3A, %swap3A_14] : memref<32x128xf32, #tpu.memory_space<vmem>>, vector<32x128xf32>
    tpu.vector_store %arg2[%swap3A, %swap3A_14], %concatenate3A_13 {strides = array<i32>} : memref<32x128xf32, #tpu.memory_space<vmem>>, vector<32x128xf32>,
    return
  }
}

module attributes {stable_mosaic.version = 14 : i64} {
  func.func @_tcb_body(%arg0: memref<2x64x16xf32, #tpu.memory_space<vmem>>, %arg1: memref<2x64x16xf32, #tpu.memory_space<vmem>>, %arg2: memref<1x1xf32, #tpu.memory_space<vmem>>, %arg3: memref<64x16xf32, #tpu.memory_space<vmem>>) attributes {dimension_semantics = [], scalar_prefetch = 0 : i64, scratch_operands = 0 : i64, tpu.core_type = #tpu.core_type<tc>} {
    %get3A = arith.constant 0 : index
    %get3A_0 = arith.constant 0 : index
    %get3A_1 = arith.constant 0 : index
    %get3A_2 = vector.load %arg0[%get3A, %get3A_0, %get3A_1] : memref<2x64x16xf32, #tpu.memory_space<vmem>>, vector<2x64x16xf32>
    %get3A_3 = arith.constant 0 : index
    %get3A_4 = arith.constant 0 : index
    %get3A_5 = arith.constant 0 : index
    %get3A_6 = vector.load %arg1[%get3A_3, %get3A_4, %get3A_5] : memref<2x64x16xf32, #tpu.memory_space<vmem>>, vector<2x64x16xf32>
    %slice3A = vector.extract_strided_slice %get3A_2 {offsets = [0, 0, 0], sizes = [1, 64, 16], strides = [1, 1, 1]} : vector<2x64x16xf32> to vector<1x64x16xf32>
    %squeeze3A = vector.shape_cast %slice3A : vector<1x64x16xf32> to vector<64x16xf32>
    %slice3A_7 = vector.extract_strided_slice %get3A_2 {offsets = [1, 0, 0], sizes = [1, 64, 16], strides = [1, 1, 1]} : vector<2x64x16xf32> to vector<1x64x16xf32>
    %squeeze3A_8 = vector.shape_cast %slice3A_7 : vector<1x64x16xf32> to vector<64x16xf32>
    %add3A = arith.addf %squeeze3A, %squeeze3A_8 : vector<64x16xf32>
    %slice3A_9 = vector.extract_strided_slice %get3A_6 {offsets = [0, 0, 0], sizes = [1, 64, 16], strides = [1, 1, 1]} : vector<2x64x16xf32> to vector<1x64x16xf32>
    %squeeze3A_10 = vector.shape_cast %slice3A_9 : vector<1x64x16xf32> to vector<64x16xf32>
    %slice3A_11 = vector.extract_strided_slice %get3A_6 {offsets = [1, 0, 0], sizes = [1, 64, 16], strides = [1, 1, 1]} : vector<2x64x16xf32> to vector<1x64x16xf32>
    %squeeze3A_12 = vector.shape_cast %slice3A_11 : vector<1x64x16xf32> to vector<64x16xf32>
    %add3A_13 = arith.addf %squeeze3A_10, %squeeze3A_12 : vector<64x16xf32>
    %get3A_14 = arith.constant 0 : index
    %get3A_15 = arith.constant 0 : index
    %get3A_16 = vector.load %arg2[%get3A_14, %get3A_15] : memref<1x1xf32, #tpu.memory_space<vmem>>, vector<1x1xf32>
    %mul3A = vector.broadcast %get3A_16 : vector<1x1xf32> to vector<64x16xf32>
    %mul3A_17 = arith.mulf %add3A_13, %mul3A : vector<64x16xf32>
    %add3A_18 = arith.addf %add3A, %mul3A_17 : vector<64x16xf32>
    %max3A = arith.constant 1.000000e+00 : f32
    %max3A_19 = vector.broadcast %max3A : f32 to vector<64x16xf32>
    %max3A_20 = arith.maximumf %add3A_13, %max3A_19 : vector<64x16xf32>
    %div3A = arith.divf %add3A_18, %max3A_20 : vector<64x16xf32>
    %swap3A = arith.constant 0 : index
    %swap3A_21 = arith.constant 0 : index
    %swap3A_22 = vector.load %arg3[%swap3A, %swap3A_21] : memref<64x16xf32, #tpu.memory_space<vmem>>, vector<64x16xf32>
    tpu.vector_store %arg3[%swap3A, %swap3A_21], %div3A {strides = array<i32>} : memref<64x16xf32, #tpu.memory_space<vmem>>, vector<64x16xf32>,
    return
  }
}

</mosaic_0001>

<sc_bundles>
// kernel: kernel.6.cloned.1.call-start
scs
__scs_entry_jumppad:
0x0: {  	(pc) =	sbr.rel $0x88, $3  }
0x1: {  	(tag) =	ssettag $0x0;
	lr =	simm.s32 $0x1  }
0x2: {  	[smem:$0x3F9D] =	sst lr;
	_ =	strace $0xD0000000  }
0x3: {  	_ = 	snop  }
0x4: {  	_ = 	snop  }
0x5: {  	_ = 	snop  }
0x6: {  	_ = 	snop  }
0x7: {  	_ = 	snop  }
__scs_overlays_trampoline_lowered:
0x8: {  	[smem:$0x3FAC] =	sst s0  }
0x9: {  	[smem:$0x3FAD] =	sst s1  }
0xa: {  	[smem:$0x3FAE] =	sst s2  }
0xb: {  	[smem:$0x3FAF] =	sst s3  }
0xc: {  	[smem:$0x3FB0] =	sst s4  }
0xd: {  	[smem:$0x3FB1] =	sst s5  }
0xe: {  	[smem:$0x3FB2] =	sst s6  }
0xf: {  	[smem:$0x3FB3] =	sst s7  }
0x10: {  	[smem:$0x3FB4] =	sst s8  }
0x11: {  	[smem:$0x3FB5] =	sst s9;
	s0 =	simm.s32 @!p0 $0x0  }
0x12: {  	s1 =	sld [smem:$0x3F9B];
	s0 =	simm.s32 @p0 $0x1  }
0x13: {  	[smem:$0x3FB6] =	sst s0;
	s0 =	simm.s32 @!p1 $0x0  }
0x14: {  	s2 =	sld [smem:$0x3F9A];
	s0 =	simm.s32 @p1 $0x1  }
0x15: {  	[smem:$0x3FB7] =	sst s0;
	s0 =	simm.s32 @!p2 $0x0  }
0x16: {  	s3 =	sld [smem:$0x3FDB];
	s0 =	simm.s32 @p2 $0x1  }
0x17: {  	s4 =	simm.s32 $0x1BF5;
	[smem:$0x3FB9] =	sst s0  }
0x18: {  	s0 =	sld [smem:$0x3F9C];
	_ =	swait.ge [sflag:s4], $0x0  }
0x19: {  	s7 =	sld [smem:$0x3F9D]  }
0x1a: {  	s8 =	sadd.s32 $0xFFFFE003, lr  }
0x1b: {  	s9 =	sadd.s32 $0xFFFFFEF7, lr;
	s5 =	simm.s32 $0xFFFFFFFF;
	p2 =	slt.u32 s8, $0xFFFFF086  }
0x1c: {  	p1 =	slt.u32 s9, $0xF7A;
	s5 =	simm.s32 @!p2 $0x0  }
0x1d: {  	s5 =	simm.s32 @p1 $0x1;
	p0 =	seq.s32 s7, s2  }
0x1e: {  	s7 =	smul.u32 @!p0 $0xF7A, s2;
	p2 =	seq.s32 @!p0 s5, $0x0  }
0x1f: {  	s9 =	smul.u32 $0xF7A, s1;
	s8 =	simm.s32 @!p0 $0x1BF5;
	p2 =	por !p2, p0  }
0x20: {  	[sflag:s8] =	ssyncset.s32 @!p0 $0xFFFFF086;
	s6 =	sadd.s32 @!p0 s3, s7;
	s7 =	simm.s32 @!p0 $0x108  }
0x21: {  	s3 =	sadd.s32 s3, s9;
	s6 =	sadd.s32 @!p0 $0x88, s6;
	s7 =	simm.s32 @p2 $0x1082  }
0x22: {  	[simem:s7], [sflag:s8] =	dma.local @!p0 [hbm:s6], $0xF7A  }
0x23: {  	s9 =	sor.u32 $0xD0000000, s2;
	s6 =	simm.s32 $0x108;
	_ =	swait.ge @!p0 [sflag:s8], $0x0  }
0x24: {  	s3 =	sadd.s32 $0x88, s3;
	s6 =	simm.s32 @!p1 $0x1082;
	[sflag:s4] =	ssyncset.s32 $0xFFFFF086  }
0x25: {  	[simem:s6], [sflag:s4] =	dma.local [hbm:s3], $0xF7A  }
0x26: {  	[smem:$0x3F9D] =	sst s1;
	(tag) =	ssettag s2;
	_ =	strace s9  }
0x27: {  	s1 =	sld [smem:$0x3FAD]  }
0x28: {  	s2 =	sld [smem:$0x3FAE]  }
0x29: {  	s4 =	sld [smem:$0x3FB0]  }
0x2a: {  	p0 =	seq.s32 s5, $0x0;
	s5 =	sld [smem:$0x3FB1]  }
0x2b: {  	s6 =	sld [smem:$0x3FB2]  }
0x2c: {  	s7 =	sld [smem:$0x3FB3]  }
0x2d: {  	s3 =	simm.s32 $0x108;
	s8 =	sld [smem:$0x3FB4]  }
0x2e: {  	s3 =	simm.s32 @!p0 $0x1082;
	s9 =	sld [smem:$0x3FB5]  }
0x2f: {  	lr =	sadd.s32 s0, s3;
	s0 =	sld [smem:$0x3FAC]  }
0x30: {  	s3 =	sld [smem:$0x3FAF]  }
0x31: {  	[smem:$0x3FB8] =	sst s10  }
0x32: {  	s10 =	sld [smem:$0x3FB6];
	_ =	sdelay $0x3  }
0x33: {  	p0 =	seq.s32 s10, $0x1;
	s10 =	sld [smem:$0x3FB8];
	_ =	sdelay $0x3  }
0x34: {  	[smem:$0x3FB8] =	sst s10  }
0x35: {  	s10 =	sld [smem:$0x3FB7];
	_ =	sdelay $0x3  }
0x36: {  	p1 =	seq.s32 s10, $0x1;
	s10 =	sld [smem:$0x3FB8];
	_ =	sdelay $0x3  }
0x37: {  	[smem:$0x3FB8] =	sst s10  }
0x38: {  	s10 =	sld [smem:$0x3FB9]  }
0x39: {  	_ = 	snop;
	(pc) =	sbr.ind lr, $3  }
0x3a: {  	_ = 	snop  }
0x3b: {  	_ = 	snop  }
0x3c: {  	p2 =	seq.s32 s10, $0x1;
	s10 =	sld [smem:$0x3FB8]  }
0x3d: {  	_ =	shalt  }
0x3e: {  	_ =	shalt  }
0x3f: {  	_ =	shalt  }
0x40: {  	_ =	shalt  }
0x41: {  	_ =	shalt  }
0x42: {  	_ =	shalt  }
0x43: {  	_ =	shalt  }
0x44: {  	_ =	shalt  }
0x45: {  	_ =	shalt  }
0x46: {  	_ =	shalt  }
0x47: {  	_ =	shalt  }
0x48: {  	_ =	shalt  }
0x49: {  	_ =	shalt  }
0x4a: {  	_ =	shalt  }
0x4b: {  	_ =	shalt  }
0x4c: {  	_ =	shalt  }
0x4d: {  	_ =	shalt  }
0x4e: {  	_ =	shalt  }
0x4f: {  	_ =	shalt  }
0x50: {  	_ =	shalt  }
0x51: {  	_ =	shalt  }
0x52: {  	_ =	shalt  }
0x53: {  	_ =	shalt  }
0x54: {  	_ =	shalt  }
0x55: {  	_ =	shalt  }
0x56: {  	_ =	shalt  }
0x57: {  	_ =	shalt  }
0x58: {  	_ =	shalt  }
0x59: {  	_ =	shalt  }
0x5a: {  	_ =	shalt  }
0x5b: {  	_ =	shalt  }
0x5c: {  	_ =	shalt  }
0x5d: {  	_ =	shalt  }
0x5e: {  	_ =	shalt  }
0x5f: {  	_ =	shalt  }
0x60: {  	_ =	shalt  }
0x61: {  	_ =	shalt  }
0x62: {  	_ =	shalt  }
0x63: {  	_ =	shalt  }
0x64: {  	_ =	shalt  }
0x65: {  	_ =	shalt  }
0x66: {  	_ =	shalt  }
0x67: {  	_ =	shalt  }
0x68: {  	_ =	shalt  }
0x69: {  	_ =	shalt  }
0x6a: {  	_ =	shalt  }
0x6b: {  	_ =	shalt  }
0x6c: {  	_ =	shalt  }
0x6d: {  	_ =	shalt  }
0x6e: {  	_ =	shalt  }
0x6f: {  	_ =	shalt  }
0x70: {  	_ =	shalt  }
0x71: {  	_ =	shalt  }
0x72: {  	_ =	shalt  }
0x73: {  	_ =	shalt  }
0x74: {  	_ =	shalt  }
0x75: {  	_ =	shalt  }
0x76: {  	_ =	shalt  }
0x77: {  	_ =	shalt  }
0x78: {  	_ =	shalt  }
0x79: {  	_ =	shalt  }
0x7a: {  	_ =	shalt  }
0x7b: {  	_ =	shalt  }
0x7c: {  	_ =	shalt  }
0x7d: {  	_ =	shalt  }
0x7e: {  	_ =	shalt  }
0x7f: {  	_ =	shalt  }
0x80: {  	_ =	shalt  }
0x81: {  	_ =	shalt  }
0x82: {  	_ =	shalt  }
0x83: {  	_ =	shalt  }
0x84: {  	_ =	shalt  }
0x85: {  	_ =	shalt  }
0x86: {  	_ =	shalt  }
0x87: {  	_ =	shalt  }
.Lfunc_end0:
.L_simem_size_0:
called_computation_lowered:
.L_overlay_start_0:
0x88: {  	s2 =	sld [smem:$0x3FD9]  }
0x89: {  	s3 =	sld [smem:$0x3FFE];
	_ =	sdelay $0x1  }
0x8a: {  	s1 =	srdreg.scid  }
0x8b: {  	s0 =	sand.u32 $0x1, s1  }
0x8c: {  	s16 =	sshll.u32 s0, $0xA;
	s2 =	sadd.s32 s3, s2  }
0x8d: {  	s2 =	sadd.s32 s2, s16  }
0x8e: {  	[smem:$0x3FC4] =	sst s2  }
0x8f: {  	_ = 	snop  }
0x90: {  	(tm) =	ssettm $0x1  }
0x91: {  	s17 =	sld [smem:$0x3FFB];
	_ =	sdelay $0x3  }
0x92: {  	_ =	strace s17  }
0x93: {  	s2 =	sld [smem:$0x3FFC];
	_ =	sdelay $0x3  }
0x94: {  	_ =	strace s2  }
0x95: {  	s2 =	sld [smem:$0x3FFD];
	_ =	sdelay $0x3  }
0x96: {  	_ =	strace s2  }
0x97: {  	_ =	strace $0x8FFFFFFF  }
0x98: {  	s18 =	sld [smem:$0x3FDB];
	_ =	sdelay $0x1  }
0x99: {  	s19 =	simm.s32 $_scs_section_size  }
0x9a: {  	s4 =	simm.s32 $_size__tile_overlayer_lowered;
	s5 =	simm.s32 $_tile_overlayer_lowered  }
0x9b: {  	s22 =	simm.s32 $0x1BFF;
	s21 =	sshll.u32 s5, $0x1;
	s2 =	sadd.s32 s19, s18  }
0x9c: {  	s6 =	simm.s32 $0x0;
	s20 =	sshll.u32 s4, $0x1;
	s4 =	sadd.s32 s21, s2  }
0x9d: {  	[timem:s6], [sflag:s22] =	dma.local [hbm:s4], s20  }
0x9e: {  	_ =	swait.ge [sflag:s22], s20  }
0x9f: {  	s3 =	ssub.s32 $0x0, s20;
	[sflag:s22] =	ssyncset.done $0x0  }
0xa0: {  	[sflag:s22] =	ssyncadd.s32 s3;
	_ =	sdelay $0x1  }
0xa1: {  	s23 =	simm.s32 $0x1B8B  }
0xa2: {  	_ =	swait.ge [sflag:s23], $0x1  }
0xa3: {  	[sflag:s23] =	ssyncset.done $0x0  }
0xa4: {  	s25 =	simm.s32 $0x1B8E;
	s24 =	sld [smem:$0x3FFE];
	[sflag:s23] =	ssyncadd.s32 $0xFFFFFFFF  }
0xa5: {  	s26 =	simm.s32 $execute0_lowered;
	[smem:$0x3FD2] =	sst s25  }
0xa6: {  	s4 =	sshll.u32 s26, $0x1;
	_ =	strace $0x80000046;
	[dreg:$0x1] =	wrdreg $0xFFFFFFFF  }
0xa7: {  	s28 =	simm.s32 $_size_execute0_lowered;
	s2 =	sadd.s32 s2, s4;
	[dreg:$0x0] =	wrdreg $0x0  }
0xa8: {  	s4 =	sshll.u32 s28, $0x1;
	[dreg:$0x2] =	wrdreg s2  }
0xa9: {  	[dreg:$0x3] =	wrdreg s4  }
0xaa: {  	[dreg:$0x4] =	wrdreg $0xC0  }
0xab: {  	_ =	task [dreg:s6], $0x5FFFF  }
0xac: {  	[dreg:$0x1] =	wrdreg $0xFFFFFFFF  }
0xad: {  	[dreg:$0x0] =	wrdreg $0x60  }
0xae: {  	[dreg:$0x2] =	wrdreg s24  }
0xaf: {  	[dreg:$0x3] =	wrdreg $0x23900  }
0xb0: {  	[dreg:$0x4] =	wrdreg $0x23E00  }
0xb1: {  	[dreg:$0x5] =	wrdreg $0x9  }
0xb2: {  	_ =	task.clear_ibuf [dreg:s6], $0x6FFFF;
	_ =	strace $0x90000046  }
0xb3: {  	s29 =	simm.s32 $0x9;
	_ =	strace $0x80000048  }
0xb4: {  	_ =	swait.ge [sflag:s29], $0x1  }
0xb5: {  	[sflag:s29] =	ssyncadd.s32 $0xFFFFFFFF  }
0xb6: {  	_ =	strace $0x90000048  }
0xb7: {  	_ =	sfence  }
0xb8: {  	s30 =	sld [smem:$0x0];
	_ =	sdelay $0x2  }
0xb9: {  	s31 =	sshll.u32 s1, $0xD;
	s1 =	sshrl.u32 s1, $0x2  }
0xba: {  	s3 =	sand.u32 $0x4000, s31;
	s1 =	sadd.s32 s1, s30  }
0xbb: {  	s0 =	sor.u32 s3, s0;
	s1 =	sshll.u32 s1, $0x11  }
0xbc: {  	s0 =	sor.u32 s1, s0  }
0xbd: {  	s0 =	sadd.s32 $0x8F2B, s0  }
0xbe: {  	[sflag:s0] =	ssyncadd.remote.s32 $0x1  }
0xbf: {  	_ =	sfence.sel $0xFFFF  }
0xc0: {  	[dreg:$0x0] =	wrdreg $0xFFFFFFFF;
	(pc) =	sbr.abs _section_cstart, $3  }
0xc1: {  	[dreg:$0x1] =	wrdreg $0xFFFFFFFF  }
0xc2: {  	_ =	task.clear_ibuf [dreg:s6], $0x2FFFF;
	_ =	strace $0x9FFFFFFF  }
0xc3: {  	(tm) =	ssettm $0x7FFFFFFF  }
tec
execute0_lowered:
.L_overlay_start_1:
0x0: {  	(tag) =	ssettag $0x1  }
0x1: {  	s4 =	rddreg [dreg:$0x0]  }
0x2: {  	s1 =	rddreg [dreg:$0x1]  }
0x3: {  	s2 =	rddreg [dreg:$0x2]  }
0x4: {  	s0 =	rddreg [dreg:$0x3];
	s5 =	srdreg.scid  }
0x5: {  	s13 =	stileid.u32;
	s3 =	simm.s32 $0x0;
	s12 =	simm.s32 $0xC80  }
0x6: {  	s14 =	simm.s32 $0x1E00;
	s15 =	simm.s32 $0x50;
	s16 =	simm.s32 $0x2340  }
0x7: {  	s17 =	simm.s32 $0x2300;
	s18 =	simm.s32 $0x0;
	s5 =	sand.u32 $0x1, s5  }
0x8: {  	s6 =	sshll.u32 s13, $0x1;
	[smem:$0x7FF] =	sst s3;
	s8 =	sshll.u32 s13, $0x6  }
0x9: {  	p0 =	sne.s32 s13, $0x0;
	s13 =	simm.s32 $0x1900;
	s6 =	sor.u32 s5, s6  }
0xa: {  	s7 =	sshll.u32 s5, $0xA;
	s5 =	ssub.s32 $0x2, s5;
	s6 =	smul.u32 $0x190, s6  }
0xb: {  	_ =	strace $0x80000047;
	s7 =	sor.u32 s8, s7;
	s9 =	sshrl.u32 s5, $0x1  }
0xc: {  	s7 =	sshrl.u32 s7, $0x3;
	s11 =	ssub.s32 s5, s9;
	s6 =	sadd.s32 s6, s4  }
0xd: {  	v0 =	vlaneseq.u32;
	s10 =	sadd.s32 s7, s4;
	s4 =	sadd.s32 $0xC00, s6;
	s5 =	sadd.s32 $0x3E00, s6  }
0xe: {  	v5 =	vimm.f32 $0.0e+00;
	v6 =	vimm.f32 $1.000000000e+00;
	v1 =	vor.u32 $0x10, v0;
	s6 =	sadd.s32 s8, s1;
	s7 =	sadd.s32 $0x7200, s10;
	s8 =	sadd.s32 s8, s2  }
0xf: {  	v2 =	vor.u32 $0x20, v0;
	v3 =	vor.u32 $0x30, v0;
	v4 =	vor.u32 $0x40, v0;
	s9 =	sadd.s32 $0x7000, s10;
	s10 =	smax.u32 s11, $0x1;
	s11 =	simm.s32 $0x1  }
.LBB2_1:
0x10: {  	[tilespmem:s3], [sflag:$0x1] =	stream.linear.gather [hbm4b:s4+s3], $0xC80, $0x38;
	[tilespmem:$0x2430] =	vst v63  }
0x11: {  	_ =	swait.ge [sflag:s11], $0xC80  }
0x12: {  	[sflag:s11] =	ssyncset.done $0x0  }
0x13: {  	[sflag:s11] =	ssyncadd.s32 $0xFFFFF380  }
0x14: {  	[tilespmem:s12], [sflag:$0x1] =	stream.linear.gather [hbm4b:s5+s3], $0xC80, $0x38;
	[tilespmem:$0x2430] =	vst v63  }
0x15: {  	_ =	swait.ge [sflag:s11], $0xC80  }
0x16: {  	[sflag:s11] =	ssyncset.done $0x0  }
0x17: {  	[sflag:s11] =	ssyncadd.s32 $0xFFFFF380  }
0x18: {  	[tilespmem:$0x2340] =	vst v0  }
0x19: {  	[tilespmem:$0x2350] =	vst v1  }
0x1a: {  	[tilespmem:$0x2360] =	vst v2  }
0x1b: {  	[tilespmem:$0x2370] =	vst v3  }
0x1c: {  	s19 =	simm.s32 $0x40;
	s20 =	simm.s32 $0x0;
	[tilespmem:$0x2380] =	vst v4  }
.LBB2_2:
0x1d: {  	p1 =	sne.s32 s19, $0x13C0;
	[tilespmem:s20+$0x1900] =	vst v5;
	s21 =	smov.u32 s19;
	s19 =	sadd.s32 $0x40, s19  }
.Ltmp0:
0x1e: {  	[tilespmem:s20+$0x1E00] =	vst v5;
	(pc) =	sbr.rel @p1 .LBB2_2-.Ltmp0, $2  }
0x1f: {  	_ =	sdelay $0x2  }
0x20: {  	s20 =	sshra.s32 s21, $0x2  }
0x21: {  	[tilespmem:s20+$0x1900] =	vst v5  }
0x22: {  	[tilespmem:s20+$0x1E00] =	vst v5;
	s19 =	simm.s32 @!p0 $0x1900  }
0x23: {  	[spmem:s1] =	stream.linear.scatter @!p0 [tilespmem:s19], [sflag:$0x1], $0x500, $0x38;
	[tilespmem:$0x2430] =	vst v63  }
0x24: {  	s19 =	simm.s32 @!p0 $0x1  }
0x25: {  	_ =	swait.ge @!p0 [sflag:s19], $0x500  }
0x26: {  	[sflag:s19] =	ssyncset.done @!p0 $0x0  }
0x27: {  	s20 =	simm.s32 @!p0 $0x1E00;
	[sflag:s19] =	ssyncadd.s32 @!p0 $0xFFFFFB00  }
0x28: {  	[spmem:s2] =	stream.linear.scatter @!p0 [tilespmem:s20], [sflag:$0x1], $0x500, $0x38;
	[tilespmem:$0x2430] =	vst v63  }
0x29: {  	_ =	swait.ge @!p0 [sflag:s19], $0x500  }
0x2a: {  	[sflag:s19] =	ssyncset.done @!p0 $0x0  }
0x2b: {  	[sflag:s19] =	ssyncadd.s32 @!p0 $0xFFFFFB00;
	s19 =	simm.s32 $0x0  }
.LBB2_4:
0x2c: {  	s20 =	sshra.s32 s19, $0x2  }
0x2d: {  	v7 =	vld [tilespmem:s20+$0xC80];
	_ =	sdelay $0x2  }
0x2e: {  	v8 =	vld [tilespmem:s20+$0x0];
	_ =	sdelay $0x4  }
0x2f: {  	[tilespmem:v7+s13+$0x0] =	vst.idx.add.f32.msk $0xffff, v8  }
0x30: {  	[tilespmem:v7+s14+$0x0] =	vst.idx.add.f32.msk $0xffff, v6  }
0x31: {  	v7 =	vld [tilespmem:s20+$0xC90];
	_ =	sdelay $0x2  }
0x32: {  	v8 =	vld [tilespmem:s20+$0x10];
	_ =	sdelay $0x4  }
0x33: {  	[tilespmem:v7+s13+$0x0] =	vst.idx.add.f32.msk $0xffff, v8  }
0x34: {  	[tilespmem:v7+s14+$0x0] =	vst.idx.add.f32.msk $0xffff, v6  }
0x35: {  	v7 =	vld [tilespmem:s20+$0xCA0];
	_ =	sdelay $0x2  }
0x36: {  	v8 =	vld [tilespmem:s20+$0x20];
	_ =	sdelay $0x4  }
0x37: {  	[tilespmem:v7+s13+$0x0] =	vst.idx.add.f32.msk $0xffff, v8  }
0x38: {  	[tilespmem:v7+s14+$0x0] =	vst.idx.add.f32.msk $0xffff, v6  }
0x39: {  	v7 =	vld [tilespmem:s20+$0xCB0];
	_ =	sdelay $0x2  }
0x3a: {  	v8 =	vld [tilespmem:s20+$0x30];
	_ =	sdelay $0x4  }
0x3b: {  	[tilespmem:v7+s13+$0x0] =	vst.idx.add.f32.msk $0xffff, v8  }
0x3c: {  	[tilespmem:v7+s14+$0x0] =	vst.idx.add.f32.msk $0xffff, v6  }
0x3d: {  	v7 =	vld [tilespmem:s20+$0xCC0];
	_ =	sdelay $0x2  }
0x3e: {  	v8 =	vld [tilespmem:s20+$0x40];
	_ =	sdelay $0x4  }
0x3f: {  	[tilespmem:v7+s13+$0x0] =	vst.idx.add.f32.msk $0xffff, v8  }
0x40: {  	[tilespmem:v7+s14+$0x0] =	vst.idx.add.f32.msk $0xffff, v6  }
0x41: {  	v7 =	vld [tilespmem:s20+$0xCD0];
	_ =	sdelay $0x2  }
0x42: {  	v8 =	vld [tilespmem:s20+$0x50];
	_ =	sdelay $0x4  }
0x43: {  	[tilespmem:v7+s13+$0x0] =	vst.idx.add.f32.msk $0xffff, v8  }
0x44: {  	[tilespmem:v7+s14+$0x0] =	vst.idx.add.f32.msk $0xffff, v6  }
0x45: {  	v7 =	vld [tilespmem:s20+$0xCE0];
	_ =	sdelay $0x2  }
0x46: {  	v8 =	vld [tilespmem:s20+$0x60];
	_ =	sdelay $0x4  }
0x47: {  	[tilespmem:v7+s13+$0x0] =	vst.idx.add.f32.msk $0xffff, v8  }
0x48: {  	[tilespmem:v7+s14+$0x0] =	vst.idx.add.f32.msk $0xffff, v6  }
0x49: {  	v7 =	vld [tilespmem:s20+$0xCF0];
	_ =	sdelay $0x2  }
0x4a: {  	v8 =	vld [tilespmem:s20+$0x70]  }
0x4b: {  	p1 =	sne.s32 s19, $0x3000  }
.Ltmp1:
0x4c: {  	_ = 	snop;
	(pc) =	sbr.rel @p1 .LBB2_4-.Ltmp1, $3  }
0x4d: {  	_ =	sdelay $0x1  }
0x4e: {  	[tilespmem:v7+s13+$0x0] =	vst.idx.add.f32.msk $0xffff, v8  }
0x4f: {  	s19 =	sadd.s32 $0x200, s19;
	[tilespmem:v7+s14+$0x0] =	vst.idx.add.f32.msk $0xffff, v6  }
0x50: {  	[bflag:$0x0] =	sbarrier.arrive $0xFFFF  }
0x51: {  	[spmem:s1] =	stream.indirect.scatter.add.f32 [tilespmem:s13], [sflag:$0x1], $0x10, s16, s15, $0xb8;
	[tilespmem:$0x2430] =	vst v63  }
0x52: {  	_ =	swait.ge [sflag:s11], $0x500  }
0x53: {  	[sflag:s11] =	ssyncset.done $0x0  }
0x54: {  	[sflag:s11] =	ssyncadd.s32 $0xFFFFFB00  }
0x55: {  	[spmem:s2] =	stream.indirect.scatter.add.f32 [tilespmem:s14], [sflag:$0x1], $0x10, s16, s15, $0xb8;
	[tilespmem:$0x2430] =	vst v63  }
0x56: {  	_ =	swait.ge [sflag:s11], $0x500  }
0x57: {  	[sflag:s11] =	ssyncset.done $0x0  }
0x58: {  	[sflag:s11] =	ssyncadd.s32 $0xFFFFFB00  }
0x59: {  	[bflag:$0x0] =	sbarrier.arrive $0xFFFF  }
0x5a: {  	[tilespmem:s17], [sflag:$0x1] =	stream.linear.gather [spmem:s6], $0x40, $0x38;
	[tilespmem:$0x2430] =	vst v63  }
0x5b: {  	_ =	swait.ge [sflag:s11], $0x40  }
0x5c: {  	[sflag:s11] =	ssyncset.done $0x0  }
0x5d: {  	[sflag:s11] =	ssyncadd.s32 $0xFFFFFFC0  }
0x5e: {  	[hbm4b:s7+s3] =	stream.linear.scatter [tilespmem:s17], [sflag:$0x1], $0x40, $0x38;
	[tilespmem:$0x2430] =	vst v63  }
0x5f: {  	_ =	swait.ge [sflag:s11], $0x40  }
0x60: {  	[sflag:s11] =	ssyncset.done $0x0  }
0x61: {  	[sflag:s11] =	ssyncadd.s32 $0xFFFFFFC0  }
0x62: {  	[tilespmem:s17], [sflag:$0x1] =	stream.linear.gather [spmem:s8], $0x40, $0x38;
	[tilespmem:$0x2430] =	vst v63  }
0x63: {  	s18 =	sadd.s32 $0x1, s18;
	_ =	swait.ge [sflag:s11], $0x40  }
0x64: {  	p1 =	sne.s32 s18, s10;
	[sflag:s11] =	ssyncset.done $0x0  }
.Ltmp2:
0x65: {  	[sflag:s11] =	ssyncadd.s32 $0xFFFFFFC0;
	(pc) =	sbr.rel @p1 .LBB2_1-.Ltmp2, $4  }
0x66: {  	[hbm4b:s9+s3] =	stream.linear.scatter [tilespmem:s17], [sflag:$0x1], $0x40, $0x38;
	[tilespmem:$0x2430] =	vst v63  }
0x67: {  	_ =	swait.ge [sflag:s11], $0x40  }
0x68: {  	[sflag:s11] =	ssyncset.done $0x0  }
0x69: {  	[sflag:s11] =	ssyncadd.s32 $0xFFFFFFC0  }
0x6a: {  	_ =	sfence.sel $0x180000  }
0x6b: {  	[bflag:$0x0] =	sbarrier.arrive $0xFFFF  }
0x6c: {  	_ =	strace $0x90000047  }
0x6d: {  	s0 =	sadd.s32 @!p0 $0x100000, s0;
	[bflag:$0x2] =	sbarrier.arrive $0xFFFF  }
0x6e: {  	[sflag:s0] =	ssyncadd.tile.s32 @!p0 $0x1;
	_ =	shalt  }
.Lfunc_end2:
_tile_overlayer_lowered:
.L_overlay_start_2:
0x6f: {  	(tag) =	ssettag $0x2  }
0x70: {  	s0 =	rddreg [dreg:$0x0];
	s2 =	stileid.u32  }
0x71: {  	s1 =	rddreg [dreg:$0x1];
	p0 =	sne.s32 s2, $0x0  }
0x72: {  	s3 =	rddreg [dreg:$0x2];
	[bflag:$0x3] =	sbarrier.arrive $0xFFFF;
	s2 =	simm.s32 @!p0 $0x1C01  }
0x73: {  	[timem:s3], [sflag:s2] =	dma.local @!p0 [hbm:s0], s1  }
0x74: {  	s0 =	simm.s32 @!p0 $0x1  }
0x75: {  	_ =	swait.ge @!p0 [sflag:s0], s1  }
0x76: {  	s1 =	ssub.s32 @!p0 $0x0, s1;
	[sflag:s0] =	ssyncset.done @!p0 $0x0  }
0x77: {  	[sflag:s0] =	ssyncadd.s32 @!p0 s1  }
0x78: {  	[bflag:$0x3] =	sbarrier.arrive $0xFFFF  }
0x79: {  	_ =	shalt  }

</sc_bundles>
